<compile_context>
chip_gen: v7x
topology: tpu7x:2x2x1
jax: 0.10.2.dev20260603
libtpu: 0.0.44.dev20260713+nightly
codegen_flags: <defaults>
</compile_context>

<pallas_src>
import functools

import jax
import jax.numpy as jnp
from jax import lax
from jax.experimental import pallas as pl
from jax.experimental.pallas import tpu as pltpu
from jax.experimental.pallas import tpu_sc as plsc


def _main_kernel(pred_ref, tgt_ref, lse_ref, xt_ref):
    x = pred_ref[0]
    cdim, tblk = x.shape
    s = jnp.sum(jnp.exp(x), axis=0, keepdims=True)
    tgt = tgt_ref[0]
    cidx = jax.lax.broadcasted_iota(jnp.int32, (cdim, tblk), 0)
    mask = cidx == tgt
    xt_ref[0] = jnp.sum(jnp.where(mask, x, 0.0), axis=0, keepdims=True)
    lse_ref[0] = jnp.log(s)


def _combine_kernel(lse_ref, xt_ref, cw_ref, lbe_ref, out_ref, *, num_bins):
    lse = lse_ref[...]
    xt = xt_ref[...]
    cw = cw_ref[...]
    n = lse.shape[1]
    raw = lse - xt
    p = jnp.exp(xt - lse)
    l1 = jnp.clip(2.0 * (1.0 - p), 1e-6, 2.0 - 1e-6) * 0.5
    bins = jnp.floor(l1 * num_bins).astype(jnp.int32)
    bidx = jax.lax.broadcasted_iota(jnp.int32, (num_bins, n), 0)
    lb = jnp.sum(jnp.where(bidx == bins, lbe_ref[...], 0.0), axis=0,
                 keepdims=True)
    denom = cw * jnp.sqrt(p) * lb + 1e-10
    out_ref[:, :] = jnp.sum(raw * jax.lax.rsqrt(denom), axis=1,
                            keepdims=True)


def _sc_gather(classes_ema, tgt_flat):
    info = plsc.get_sparse_core_info()
    nw = info.num_cores * info.num_subcores
    n = tgt_flat.shape[0]
    chunk = n // nw
    mesh = plsc.VectorSubcoreMesh(core_axis_name="c", subcore_axis_name="s")

    @functools.partial(
        pl.kernel,
        mesh=mesh,
        out_type=jax.ShapeDtypeStruct((n,), jnp.float32),
        scratch_types=[
            pltpu.VMEM((chunk,), jnp.int32),
            pltpu.VMEM((chunk,), jnp.float32),
            pltpu.SemaphoreType.DMA,
        ],
    )
    def gather_k(ce_hbm, tgt_hbm, cw_hbm, tgt_v, cw_v, sem):
        wid = lax.axis_index("s") * info.num_cores + lax.axis_index("c")
        base = wid * chunk
        pltpu.sync_copy(tgt_hbm.at[pl.ds(base, chunk)], tgt_v)
        pltpu.async_copy(ce_hbm.at[tgt_v], cw_v, sem).wait()
        pltpu.sync_copy(cw_v, cw_hbm.at[pl.ds(base, chunk)])

    return gather_k(classes_ema, tgt_flat)


def kernel(pred, target, classes_ema, loss_bins_ema):
    B, C, T = pred.shape
    num_bins = loss_bins_ema.shape[0]
    t_blk = 1024

    tgt = target.astype(jnp.int32)
    tgt3 = tgt.reshape(B, 1, T)

    cw = _sc_gather(classes_ema, tgt.reshape(-1))

    lse, xt = pl.pallas_call(
        _main_kernel,
        grid=(B, T // t_blk),
        in_specs=[
            pl.BlockSpec((1, C, t_blk), lambda b, t: (b, 0, t)),
            pl.BlockSpec((1, 1, t_blk), lambda b, t: (b, 0, t)),
        ],
        out_specs=[
            pl.BlockSpec((1, 1, t_blk), lambda b, t: (b, 0, t)),
            pl.BlockSpec((1, 1, t_blk), lambda b, t: (b, 0, t)),
        ],
        out_shape=[
            jax.ShapeDtypeStruct((B, 1, T), jnp.float32),
            jax.ShapeDtypeStruct((B, 1, T), jnp.float32),
        ],
    )(pred, tgt3)

    n = B * T
    out = pl.pallas_call(
        functools.partial(_combine_kernel, num_bins=num_bins),
        in_specs=[
            pl.BlockSpec((1, n), lambda: (0, 0)),
            pl.BlockSpec((1, n), lambda: (0, 0)),
            pl.BlockSpec((1, n), lambda: (0, 0)),
            pl.BlockSpec((num_bins, 1), lambda: (0, 0)),
        ],
        out_specs=pl.BlockSpec((1, 1), lambda: (0, 0)),
        out_shape=jax.ShapeDtypeStruct((1, 1), jnp.float32),
    )(lse.reshape(1, n), xt.reshape(1, n), cw.reshape(1, n),
      loss_bins_ema.reshape(num_bins, 1))
    return out[0, 0] / n

# --- scband reference (transcript-rebuilt; emitter-appended) ---
"""Pipeline reference for scband-ghmloss-4054449128257 (READ-ONLY COPY).

The authoritative reference and input builder live on the scoring server;
editing this copy changes nothing except your own understanding.
"""

import jax, jax.numpy as jnp
import numpy as np

B, C, T = 4, 1024, 4096
NUM_LOSS_BINS = 10

def setup_inputs(seed: int = 0) -> dict:
    key = jax.random.key(seed)
    k1, k2 = jax.random.split(key)
    pred = jax.random.normal(k1, (B, C, T), dtype=jnp.float32)
    target = jax.random.randint(k2, (B, T), 0, C)
    classes_ema = jnp.ones((C,), dtype=jnp.float32)
    loss_bins_ema = jnp.ones((NUM_LOSS_BINS,), dtype=jnp.float32)
    return {"pred": pred, "target": target, "classes_ema": classes_ema, "loss_bins_ema": loss_bins_ema}

def reference(pred, target, classes_ema, loss_bins_ema):
    num_classes = pred.shape[1]
    num_loss_bins = loss_bins_ema.shape[0]
    # CrossEntropyLoss(reduction='none', label_smoothing=0.0) over class dim 1
    logp = jax.nn.log_softmax(pred, axis=1)
    raw_loss = -jnp.take_along_axis(logp, target[:, None, :], axis=1)[:, 0, :]  # [B, T]
    # target_probs = one-hot scatter along class dim -> [B, C, T]
    target_probs = jnp.transpose(jax.nn.one_hot(target, num_classes, dtype=pred.dtype), (0, 2, 1))
    pred_probs = jax.nn.softmax(pred, axis=1)
    L1_loss = jnp.clip(jnp.abs(pred_probs - target_probs).sum(axis=1), 1e-06, 2 - 1e-06) / 2  # [B, T]
    # sqrt(pred_probs * target_probs) == sqrt(pred_probs) * target_probs for one-hot targets
    geom = jnp.sqrt(pred_probs) * target_probs  # [B, C, T]
    bin_idx = jnp.floor(L1_loss * num_loss_bins).astype(jnp.int32)  # values in [0, num_loss_bins-1]
    denom = (classes_ema[None, :, None] * geom).sum(axis=1) * loss_bins_ema[bin_idx] + 1e-10
    loss_weighted = raw_loss / jnp.sqrt(denom)
    loss_final = jnp.mean(loss_weighted)
    return loss_final

if __name__ == "__main__":
    import jax
    _d = setup_inputs()
    print(jax.jit(kernel)(*tuple(_d.values())))

</pallas_src>

<mosaic_0001>
#map = affine_map<(d0, d1) -> (0)>
module attributes {stable_mosaic.version = 14 : i64} {
  func.func @gather_k(%arg0: i32, %arg1: i32, %arg2: memref<1024xf32, #tpu.memory_space<hbm>>, %arg3: memref<16384xi32, #tpu.memory_space<hbm>>, %arg4: memref<16384xf32, #tpu.memory_space<hbm>>, %arg5: memref<512xi32, #tpu.memory_space<vmem>>, %arg6: memref<512xf32, #tpu.memory_space<vmem>>, %arg7: memref<!tpu.dma_semaphore, #tpu.memory_space<semaphore_mem>>) attributes {dimension_semantics = [#tpu.dimension_semantics<core_parallel>, #tpu.dimension_semantics<subcore_parallel>], iteration_bounds = array<i64: 2, 16>, scalar_prefetch = 0 : i64, scratch_operands = 3 : i64, tpu.core_type = #tpu.core_type<sc_vector_subcore>, window_params = [{transform_indices = #map}, {transform_indices = #map}, {transform_indices = #map}]} {
    %mul3A = arith.constant 2 : i32
    %mul3A_0 = arith.muli %arg1, %mul3A : i32
    %add3A = arith.addi %mul3A_0, %arg0 : i32
    %mul3A_1 = arith.constant 512 : i32
    %mul3A_2 = arith.muli %add3A, %mul3A_1 : i32
    "tpu.region"() ({
      %run_scoped3A = tpu.sem_alloc : memref<!tpu.dma_semaphore, #tpu.memory_space<semaphore_mem>>
      %dma_start3A_5 = tpu.memref_slice %arg3[%mul3A_2] : memref<16384xi32, #tpu.memory_space<hbm>> -> memref<512xi32, #tpu.memory_space<hbm>>
      %dma_start3A_6 = tpu.memref_slice %arg3[%mul3A_2] : memref<16384xi32, #tpu.memory_space<hbm>> -> memref<512xi32, #tpu.memory_space<hbm>>
      tpu.enqueue_dma source(%dma_start3A_6 : memref<512xi32, #tpu.memory_space<hbm>>) target(%arg5 : memref<512xi32, #tpu.memory_space<vmem>>) target_semaphore(%run_scoped3A : memref<!tpu.dma_semaphore, #tpu.memory_space<semaphore_mem>>)
      %dma_wait3A_7 = tpu.memref_slice %arg3[%mul3A_2] : memref<16384xi32, #tpu.memory_space<hbm>> -> memref<512xi32, #tpu.memory_space<hbm>>
      %dma_wait3A_8 = tpu.memref_slice %arg3[%mul3A_2] : memref<16384xi32, #tpu.memory_space<hbm>> -> memref<512xi32, #tpu.memory_space<hbm>>
      tpu.wait_dma2 semaphore(%run_scoped3A : memref<!tpu.dma_semaphore, #tpu.memory_space<semaphore_mem>>) src(%dma_wait3A_8 : memref<512xi32, #tpu.memory_space<hbm>>) dst(%arg5 : memref<512xi32, #tpu.memory_space<vmem>>)
      tpu.yield
    }) : () -> ()
    %dma_start3A = arith.constant 0 : i32
    %dma_start3A_3 = tpu.memref_slice %arg2[%dma_start3A] : memref<1024xf32, #tpu.memory_space<hbm>> -> memref<1024xf32, #tpu.memory_space<hbm>>
    tpu.enqueue_indirect_dma source(%dma_start3A_3 : memref<1024xf32, #tpu.memory_space<hbm>>) target(%arg6 : memref<512xf32, #tpu.memory_space<vmem>>) offsets(%arg5 : memref<512xi32, #tpu.memory_space<vmem>>) semaphore(%arg7 : memref<!tpu.dma_semaphore, #tpu.memory_space<semaphore_mem>>)
    %dma_wait3A = arith.constant 0 : i32
    %dma_wait3A_4 = tpu.memref_slice %arg2[%dma_wait3A] : memref<1024xf32, #tpu.memory_space<hbm>> -> memref<1024xf32, #tpu.memory_space<hbm>>
    tpu.wait_indirect_dma semaphore(%arg7 : memref<!tpu.dma_semaphore, #tpu.memory_space<semaphore_mem>>) src(%dma_wait3A_4 : memref<1024xf32, #tpu.memory_space<hbm>>) dst(%arg6 : memref<512xf32, #tpu.memory_space<vmem>>)
    "tpu.region"() ({
      %run_scoped3A = tpu.sem_alloc : memref<!tpu.dma_semaphore, #tpu.memory_space<semaphore_mem>>
      %dma_start3A_5 = tpu.memref_slice %arg4[%mul3A_2] : memref<16384xf32, #tpu.memory_space<hbm>> -> memref<512xf32, #tpu.memory_space<hbm>>
      %dma_start3A_6 = tpu.memref_slice %arg4[%mul3A_2] : memref<16384xf32, #tpu.memory_space<hbm>> -> memref<512xf32, #tpu.memory_space<hbm>>
      tpu.enqueue_dma source(%arg6 : memref<512xf32, #tpu.memory_space<vmem>>) target(%dma_start3A_6 : memref<512xf32, #tpu.memory_space<hbm>>) target_semaphore(%run_scoped3A : memref<!tpu.dma_semaphore, #tpu.memory_space<semaphore_mem>>)
      %dma_wait3A_7 = tpu.memref_slice %arg4[%mul3A_2] : memref<16384xf32, #tpu.memory_space<hbm>> -> memref<512xf32, #tpu.memory_space<hbm>>
      %dma_wait3A_8 = tpu.memref_slice %arg4[%mul3A_2] : memref<16384xf32, #tpu.memory_space<hbm>> -> memref<512xf32, #tpu.memory_space<hbm>>
      tpu.wait_dma2 semaphore(%run_scoped3A : memref<!tpu.dma_semaphore, #tpu.memory_space<semaphore_mem>>) src(%arg6 : memref<512xf32, #tpu.memory_space<vmem>>) dst(%dma_wait3A_8 : memref<512xf32, #tpu.memory_space<hbm>>)
      tpu.yield
    }) : () -> ()
    return
  }
}

module attributes {stable_mosaic.version = 14 : i64} {
  func.func @_combine_kernel(%arg0: memref<1x16384xf32, #tpu.memory_space<vmem>>, %arg1: memref<1x16384xf32, #tpu.memory_space<vmem>>, %arg2: memref<1x16384xf32, #tpu.memory_space<vmem>>, %arg3: memref<10x1xf32, #tpu.memory_space<vmem>>, %arg4: memref<1x1xf32, #tpu.memory_space<vmem>>) attributes {dimension_semantics = [], scalar_prefetch = 0 : i64, scratch_operands = 0 : i64, tpu.core_type = #tpu.core_type<tc>} {
    %get3A = arith.constant 0 : index
    %get3A_0 = arith.constant 0 : index
    %get3A_1 = vector.load %arg0[%get3A, %get3A_0] : memref<1x16384xf32, #tpu.memory_space<vmem>>, vector<1x16384xf32>
    %get3A_2 = arith.constant 0 : index
    %get3A_3 = arith.constant 0 : index
    %get3A_4 = vector.load %arg1[%get3A_2, %get3A_3] : memref<1x16384xf32, #tpu.memory_space<vmem>>, vector<1x16384xf32>
    %get3A_5 = arith.constant 0 : index
    %get3A_6 = arith.constant 0 : index
    %get3A_7 = vector.load %arg2[%get3A_5, %get3A_6] : memref<1x16384xf32, #tpu.memory_space<vmem>>, vector<1x16384xf32>
    %sub3A = arith.subf %get3A_1, %get3A_4 : vector<1x16384xf32>
    %sub3A_8 = arith.subf %get3A_4, %get3A_1 : vector<1x16384xf32>
    %exp3A = math.exp %sub3A_8 : vector<1x16384xf32>
    %sub3A_9 = arith.constant 1.000000e+00 : f32
    %sub3A_10 = vector.broadcast %sub3A_9 : f32 to vector<1x16384xf32>
    %sub3A_11 = arith.subf %sub3A_10, %exp3A : vector<1x16384xf32>
    %mul3A = arith.constant 2.000000e+00 : f32
    %mul3A_12 = vector.broadcast %mul3A : f32 to vector<1x16384xf32>
    %mul3A_13 = arith.mulf %mul3A_12, %sub3A_11 : vector<1x16384xf32>
    %jit3A = arith.constant 9.99999997E-7 : f32
    %jit3A_14 = arith.constant 1.99999905 : f32
    %max3A = vector.broadcast %jit3A : f32 to vector<1x16384xf32>
    %max3A_15 = arith.maximumf %max3A, %mul3A_13 : vector<1x16384xf32>
    %min3A = vector.broadcast %jit3A_14 : f32 to vector<1x16384xf32>
    %min3A_16 = arith.minimumf %min3A, %max3A_15 : vector<1x16384xf32>
    %mul3A_17 = arith.constant 5.000000e-01 : f32
    %mul3A_18 = vector.broadcast %mul3A_17 : f32 to vector<1x16384xf32>
    %mul3A_19 = arith.mulf %min3A_16, %mul3A_18 : vector<1x16384xf32>
    %mul3A_20 = arith.constant 1.000000e+01 : f32
    %mul3A_21 = vector.broadcast %mul3A_20 : f32 to vector<1x16384xf32>
    %mul3A_22 = arith.mulf %mul3A_19, %mul3A_21 : vector<1x16384xf32>
    %floor3A = math.floor %mul3A_22 : vector<1x16384xf32>
    %convert_element_type3A = arith.fptosi %floor3A : vector<1x16384xf32> to vector<1x16384xi32>
    %iota3A = tpu.iota {dimensions = array<i32: 0>} : vector<10x16384xi32>
    %eq3A = vector.broadcast %convert_element_type3A : vector<1x16384xi32> to vector<10x16384xi32>
    %eq3A_23 = arith.cmpi eq, %iota3A, %eq3A : vector<10x16384xi32>
    %get3A_24 = arith.constant 0 : index
    %get3A_25 = arith.constant 0 : index
    %get3A_26 = vector.load %arg3[%get3A_24, %get3A_25] : memref<10x1xf32, #tpu.memory_space<vmem>>, vector<10x1xf32>
    %jit3A_27 = arith.constant 0.000000e+00 : f32
    %broadcast_in_dim3A = vector.shape_cast %get3A_26 : vector<10x1xf32> to vector<10x1xf32>
    %broadcast_in_dim3A_28 = vector.broadcast %broadcast_in_dim3A : vector<10x1xf32> to vector<10x16384xf32>
    %broadcast_in_dim3A_29 = vector.broadcast %jit3A_27 : f32 to vector<10x16384xf32>
    %select_n3A = arith.select %eq3A_23, %broadcast_in_dim3A_28, %broadcast_in_dim3A_29 : vector<10x16384xi1>, vector<10x16384xf32>
    %reduce_sum3A = arith.constant dense<0.000000e+00> : vector<16384xf32>
    %reduce_sum3A_30 = vector.multi_reduction <add>, %select_n3A, %reduce_sum3A [0] : vector<10x16384xf32> to vector<16384xf32>
    %broadcast_in_dim3A_31 = vector.shape_cast %reduce_sum3A_30 : vector<16384xf32> to vector<1x16384xf32>
    %sqrt3A = math.sqrt %exp3A : vector<1x16384xf32>
    %mul3A_32 = arith.mulf %get3A_7, %sqrt3A : vector<1x16384xf32>
    %mul3A_33 = arith.mulf %mul3A_32, %broadcast_in_dim3A_31 : vector<1x16384xf32>
    %add3A = arith.constant 1.000000e-10 : f32
    %add3A_34 = vector.broadcast %add3A : f32 to vector<1x16384xf32>
    %add3A_35 = arith.addf %mul3A_33, %add3A_34 : vector<1x16384xf32>
    %rsqrt3A = math.rsqrt %add3A_35 : vector<1x16384xf32>
    %mul3A_36 = arith.mulf %sub3A, %rsqrt3A : vector<1x16384xf32>
    %reduce_sum3A_37 = arith.constant dense<0.000000e+00> : vector<1xf32>
    %reduce_sum3A_38 = vector.multi_reduction <add>, %mul3A_36, %reduce_sum3A_37 [1] : vector<1x16384xf32> to vector<1xf32>
    %broadcast_in_dim3A_39 = vector.shape_cast %reduce_sum3A_38 : vector<1xf32> to vector<1x1xf32>
    %swap3A = arith.constant 0 : index
    %swap3A_40 = arith.constant 0 : index
    %swap3A_41 = vector.load %arg4[%swap3A, %swap3A_40] : memref<1x1xf32, #tpu.memory_space<vmem>>, vector<1x1xf32>
    tpu.vector_store %arg4[%swap3A, %swap3A_40], %broadcast_in_dim3A_39 {strides = array<i32>} : memref<1x1xf32, #tpu.memory_space<vmem>>, vector<1x1xf32>,
    return
  }
}

module attributes {stable_mosaic.version = 14 : i64} {
  func.func @_main_kernel(%arg0: i32, %arg1: i32, %arg2: memref<1x1024x1024xf32, #tpu.memory_space<vmem>>, %arg3: memref<1x1x1024xi32, #tpu.memory_space<vmem>>, %arg4: memref<1x1x1024xf32, #tpu.memory_space<vmem>>, %arg5: memref<1x1x1024xf32, #tpu.memory_space<vmem>>) attributes {dimension_semantics = [#tpu.dimension_semantics<arbitrary>, #tpu.dimension_semantics<arbitrary>], iteration_bounds = array<i64: 4, 4>, scalar_prefetch = 0 : i64, scratch_operands = 0 : i64, tpu.core_type = #tpu.core_type<tc>, window_params = [{transform_indices = @transform_0, window_bounds = array<i64: 1, 1024, 1024>}, {transform_indices = @transform_1, window_bounds = array<i64: 1, 1, 1024>}, {transform_indices = @transform_2, window_bounds = array<i64: 1, 1, 1024>}, {transform_indices = @transform_3, window_bounds = array<i64: 1, 1, 1024>}]} {
    %get3A = arith.constant 0 : index
    %get3A_0 = arith.constant 0 : index
    %get3A_1 = arith.constant 0 : index
    %get3A_2 = vector.load %arg2[%get3A, %get3A_0, %get3A_1] : memref<1x1024x1024xf32, #tpu.memory_space<vmem>>, vector<1x1024x1024xf32>
    %get3A_3 = vector.shape_cast %get3A_2 : vector<1x1024x1024xf32> to vector<1024x1024xf32>
    %exp3A = math.exp %get3A_3 : vector<1024x1024xf32>
    %reduce_sum3A = arith.constant dense<0.000000e+00> : vector<1024xf32>
    %reduce_sum3A_4 = vector.multi_reduction <add>, %exp3A, %reduce_sum3A [0] : vector<1024x1024xf32> to vector<1024xf32>
    %broadcast_in_dim3A = vector.shape_cast %reduce_sum3A_4 : vector<1024xf32> to vector<1x1024xf32>
    %get3A_5 = arith.constant 0 : index
    %get3A_6 = arith.constant 0 : index
    %get3A_7 = arith.constant 0 : index
    %get3A_8 = vector.load %arg3[%get3A_5, %get3A_6, %get3A_7] : memref<1x1x1024xi32, #tpu.memory_space<vmem>>, vector<1x1x1024xi32>
    %get3A_9 = vector.shape_cast %get3A_8 : vector<1x1x1024xi32> to vector<1x1024xi32>
    %iota3A = tpu.iota {dimensions = array<i32: 0>} : vector<1024x1024xi32>
    %eq3A = vector.broadcast %get3A_9 : vector<1x1024xi32> to vector<1024x1024xi32>
    %eq3A_10 = arith.cmpi eq, %iota3A, %eq3A : vector<1024x1024xi32>
    %jit3A = arith.constant 0.000000e+00 : f32
    %broadcast_in_dim3A_11 = vector.broadcast %jit3A : f32 to vector<1024x1024xf32>
    %select_n3A = arith.select %eq3A_10, %get3A_3, %broadcast_in_dim3A_11 : vector<1024x1024xi1>, vector<1024x1024xf32>
    %reduce_sum3A_12 = arith.constant dense<0.000000e+00> : vector<1024xf32>
    %reduce_sum3A_13 = vector.multi_reduction <add>, %select_n3A, %reduce_sum3A_12 [0] : vector<1024x1024xf32> to vector<1024xf32>
    %broadcast_in_dim3A_14 = vector.shape_cast %reduce_sum3A_13 : vector<1024xf32> to vector<1x1024xf32>
    %swap3A = arith.constant 0 : index
    %swap3A_15 = arith.constant 0 : index
    %swap3A_16 = arith.constant 0 : index
    %swap3A_17 = vector.load %arg5[%swap3A, %swap3A_15, %swap3A_16] : memref<1x1x1024xf32, #tpu.memory_space<vmem>>, vector<1x1x1024xf32>
    %swap3A_18 = vector.shape_cast %swap3A_17 : vector<1x1x1024xf32> to vector<1x1024xf32>
    %swap3A_19 = vector.shape_cast %broadcast_in_dim3A_14 : vector<1x1024xf32> to vector<1x1x1024xf32>
    tpu.vector_store %arg5[%swap3A, %swap3A_15, %swap3A_16], %swap3A_19 {strides = array<i32>} : memref<1x1x1024xf32, #tpu.memory_space<vmem>>, vector<1x1x1024xf32>,
    %log3A = math.log %broadcast_in_dim3A : vector<1x1024xf32>
    %swap3A_20 = arith.constant 0 : index
    %swap3A_21 = arith.constant 0 : index
    %swap3A_22 = arith.constant 0 : index
    %swap3A_23 = vector.load %arg4[%swap3A_20, %swap3A_21, %swap3A_22] : memref<1x1x1024xf32, #tpu.memory_space<vmem>>, vector<1x1x1024xf32>
    %swap3A_24 = vector.shape_cast %swap3A_23 : vector<1x1x1024xf32> to vector<1x1024xf32>
    %swap3A_25 = vector.shape_cast %log3A : vector<1x1024xf32> to vector<1x1x1024xf32>
    tpu.vector_store %arg4[%swap3A_20, %swap3A_21, %swap3A_22], %swap3A_25 {strides = array<i32>} : memref<1x1x1024xf32, #tpu.memory_space<vmem>>, vector<1x1x1024xf32>,
    return
  }
  func.func @transform_0(%arg0: i32, %arg1: i32) -> (i32, i32, i32) {
    %c0_i32 = arith.constant 0 : i32
    %c0_i32_0 = arith.constant 0 : i32
    return %arg0, %c0_i32, %arg1 : i32, i32, i32
  }
  func.func @transform_1(%arg0: i32, %arg1: i32) -> (i32, i32, i32) {
    %c0_i32 = arith.constant 0 : i32
    %c0_i32_0 = arith.constant 0 : i32
    return %arg0, %c0_i32, %arg1 : i32, i32, i32
  }
  func.func @transform_2(%arg0: i32, %arg1: i32) -> (i32, i32, i32) {
    %c0_i32 = arith.constant 0 : i32
    %c0_i32_0 = arith.constant 0 : i32
    return %arg0, %c0_i32, %arg1 : i32, i32, i32
  }
  func.func @transform_3(%arg0: i32, %arg1: i32) -> (i32, i32, i32) {
    %c0_i32 = arith.constant 0 : i32
    %c0_i32_0 = arith.constant 0 : i32
    return %arg0, %c0_i32, %arg1 : i32, i32, i32
  }
}

</mosaic_0001>

<sc_bundles>
// kernel: kernel.5.cloned.1.call-start
scs
__scs_entry_jumppad:
0x0: {  	(pc) =	sbr.rel $0x88, $3  }
0x1: {  	(tag) =	ssettag $0x0;
	lr =	simm.s32 $0x1  }
0x2: {  	[smem:$0x3F9D] =	sst lr;
	_ =	strace $0xD0000000  }
0x3: {  	_ = 	snop  }
0x4: {  	_ = 	snop  }
0x5: {  	_ = 	snop  }
0x6: {  	_ = 	snop  }
0x7: {  	_ = 	snop  }
__scs_overlays_trampoline_lowered:
0x8: {  	[smem:$0x3FAC] =	sst s0  }
0x9: {  	[smem:$0x3FAD] =	sst s1  }
0xa: {  	[smem:$0x3FAE] =	sst s2  }
0xb: {  	[smem:$0x3FAF] =	sst s3  }
0xc: {  	[smem:$0x3FB0] =	sst s4  }
0xd: {  	[smem:$0x3FB1] =	sst s5  }
0xe: {  	[smem:$0x3FB2] =	sst s6  }
0xf: {  	[smem:$0x3FB3] =	sst s7  }
0x10: {  	[smem:$0x3FB4] =	sst s8  }
0x11: {  	[smem:$0x3FB5] =	sst s9;
	s0 =	simm.s32 @!p0 $0x0  }
0x12: {  	s1 =	sld [smem:$0x3F9B];
	s0 =	simm.s32 @p0 $0x1  }
0x13: {  	[smem:$0x3FB6] =	sst s0;
	s0 =	simm.s32 @!p1 $0x0  }
0x14: {  	s2 =	sld [smem:$0x3F9A];
	s0 =	simm.s32 @p1 $0x1  }
0x15: {  	[smem:$0x3FB7] =	sst s0;
	s0 =	simm.s32 @!p2 $0x0  }
0x16: {  	s3 =	sld [smem:$0x3FDB];
	s0 =	simm.s32 @p2 $0x1  }
0x17: {  	s4 =	simm.s32 $0x1BF5;
	[smem:$0x3FB9] =	sst s0  }
0x18: {  	s0 =	sld [smem:$0x3F9C];
	_ =	swait.ge [sflag:s4], $0x0  }
0x19: {  	s7 =	sld [smem:$0x3F9D]  }
0x1a: {  	s8 =	sadd.s32 $0xFFFFE003, lr  }
0x1b: {  	s9 =	sadd.s32 $0xFFFFFEF7, lr;
	s5 =	simm.s32 $0xFFFFFFFF;
	p2 =	slt.u32 s8, $0xFFFFF086  }
0x1c: {  	p1 =	slt.u32 s9, $0xF7A;
	s5 =	simm.s32 @!p2 $0x0  }
0x1d: {  	s5 =	simm.s32 @p1 $0x1;
	p0 =	seq.s32 s7, s2  }
0x1e: {  	s7 =	smul.u32 @!p0 $0xF7A, s2;
	p2 =	seq.s32 @!p0 s5, $0x0  }
0x1f: {  	s9 =	smul.u32 $0xF7A, s1;
	s8 =	simm.s32 @!p0 $0x1BF5;
	p2 =	por !p2, p0  }
0x20: {  	[sflag:s8] =	ssyncset.s32 @!p0 $0xFFFFF086;
	s6 =	sadd.s32 @!p0 s3, s7;
	s7 =	simm.s32 @!p0 $0x108  }
0x21: {  	s3 =	sadd.s32 s3, s9;
	s6 =	sadd.s32 @!p0 $0x88, s6;
	s7 =	simm.s32 @p2 $0x1082  }
0x22: {  	[simem:s7], [sflag:s8] =	dma.local @!p0 [hbm:s6], $0xF7A  }
0x23: {  	s9 =	sor.u32 $0xD0000000, s2;
	s6 =	simm.s32 $0x108;
	_ =	swait.ge @!p0 [sflag:s8], $0x0  }
0x24: {  	s3 =	sadd.s32 $0x88, s3;
	s6 =	simm.s32 @!p1 $0x1082;
	[sflag:s4] =	ssyncset.s32 $0xFFFFF086  }
0x25: {  	[simem:s6], [sflag:s4] =	dma.local [hbm:s3], $0xF7A  }
0x26: {  	[smem:$0x3F9D] =	sst s1;
	(tag) =	ssettag s2;
	_ =	strace s9  }
0x27: {  	s1 =	sld [smem:$0x3FAD]  }
0x28: {  	s2 =	sld [smem:$0x3FAE]  }
0x29: {  	s4 =	sld [smem:$0x3FB0]  }
0x2a: {  	p0 =	seq.s32 s5, $0x0;
	s5 =	sld [smem:$0x3FB1]  }
0x2b: {  	s6 =	sld [smem:$0x3FB2]  }
0x2c: {  	s7 =	sld [smem:$0x3FB3]  }
0x2d: {  	s3 =	simm.s32 $0x108;
	s8 =	sld [smem:$0x3FB4]  }
0x2e: {  	s3 =	simm.s32 @!p0 $0x1082;
	s9 =	sld [smem:$0x3FB5]  }
0x2f: {  	lr =	sadd.s32 s0, s3;
	s0 =	sld [smem:$0x3FAC]  }
0x30: {  	s3 =	sld [smem:$0x3FAF]  }
0x31: {  	[smem:$0x3FB8] =	sst s10  }
0x32: {  	s10 =	sld [smem:$0x3FB6];
	_ =	sdelay $0x3  }
0x33: {  	p0 =	seq.s32 s10, $0x1;
	s10 =	sld [smem:$0x3FB8];
	_ =	sdelay $0x3  }
0x34: {  	[smem:$0x3FB8] =	sst s10  }
0x35: {  	s10 =	sld [smem:$0x3FB7];
	_ =	sdelay $0x3  }
0x36: {  	p1 =	seq.s32 s10, $0x1;
	s10 =	sld [smem:$0x3FB8];
	_ =	sdelay $0x3  }
0x37: {  	[smem:$0x3FB8] =	sst s10  }
0x38: {  	s10 =	sld [smem:$0x3FB9]  }
0x39: {  	_ = 	snop;
	(pc) =	sbr.ind lr, $3  }
0x3a: {  	_ = 	snop  }
0x3b: {  	_ = 	snop  }
0x3c: {  	p2 =	seq.s32 s10, $0x1;
	s10 =	sld [smem:$0x3FB8]  }
0x3d: {  	_ =	shalt  }
0x3e: {  	_ =	shalt  }
0x3f: {  	_ =	shalt  }
0x40: {  	_ =	shalt  }
0x41: {  	_ =	shalt  }
0x42: {  	_ =	shalt  }
0x43: {  	_ =	shalt  }
0x44: {  	_ =	shalt  }
0x45: {  	_ =	shalt  }
0x46: {  	_ =	shalt  }
0x47: {  	_ =	shalt  }
0x48: {  	_ =	shalt  }
0x49: {  	_ =	shalt  }
0x4a: {  	_ =	shalt  }
0x4b: {  	_ =	shalt  }
0x4c: {  	_ =	shalt  }
0x4d: {  	_ =	shalt  }
0x4e: {  	_ =	shalt  }
0x4f: {  	_ =	shalt  }
0x50: {  	_ =	shalt  }
0x51: {  	_ =	shalt  }
0x52: {  	_ =	shalt  }
0x53: {  	_ =	shalt  }
0x54: {  	_ =	shalt  }
0x55: {  	_ =	shalt  }
0x56: {  	_ =	shalt  }
0x57: {  	_ =	shalt  }
0x58: {  	_ =	shalt  }
0x59: {  	_ =	shalt  }
0x5a: {  	_ =	shalt  }
0x5b: {  	_ =	shalt  }
0x5c: {  	_ =	shalt  }
0x5d: {  	_ =	shalt  }
0x5e: {  	_ =	shalt  }
0x5f: {  	_ =	shalt  }
0x60: {  	_ =	shalt  }
0x61: {  	_ =	shalt  }
0x62: {  	_ =	shalt  }
0x63: {  	_ =	shalt  }
0x64: {  	_ =	shalt  }
0x65: {  	_ =	shalt  }
0x66: {  	_ =	shalt  }
0x67: {  	_ =	shalt  }
0x68: {  	_ =	shalt  }
0x69: {  	_ =	shalt  }
0x6a: {  	_ =	shalt  }
0x6b: {  	_ =	shalt  }
0x6c: {  	_ =	shalt  }
0x6d: {  	_ =	shalt  }
0x6e: {  	_ =	shalt  }
0x6f: {  	_ =	shalt  }
0x70: {  	_ =	shalt  }
0x71: {  	_ =	shalt  }
0x72: {  	_ =	shalt  }
0x73: {  	_ =	shalt  }
0x74: {  	_ =	shalt  }
0x75: {  	_ =	shalt  }
0x76: {  	_ =	shalt  }
0x77: {  	_ =	shalt  }
0x78: {  	_ =	shalt  }
0x79: {  	_ =	shalt  }
0x7a: {  	_ =	shalt  }
0x7b: {  	_ =	shalt  }
0x7c: {  	_ =	shalt  }
0x7d: {  	_ =	shalt  }
0x7e: {  	_ =	shalt  }
0x7f: {  	_ =	shalt  }
0x80: {  	_ =	shalt  }
0x81: {  	_ =	shalt  }
0x82: {  	_ =	shalt  }
0x83: {  	_ =	shalt  }
0x84: {  	_ =	shalt  }
0x85: {  	_ =	shalt  }
0x86: {  	_ =	shalt  }
0x87: {  	_ =	shalt  }
.Lfunc_end0:
.L_simem_size_0:
called_computation_lowered:
.L_overlay_start_0:
0x88: {  	s2 =	sld [smem:$0x3FD9]  }
0x89: {  	s3 =	sld [smem:$0x3FFE];
	_ =	sdelay $0x1  }
0x8a: {  	s1 =	srdreg.scid  }
0x8b: {  	s0 =	sand.u32 $0x1, s1  }
0x8c: {  	s17 =	sshll.u32 s0, $0xA;
	s2 =	sadd.s32 s3, s2  }
0x8d: {  	s2 =	sadd.s32 s2, s17  }
0x8e: {  	[smem:$0x3FC4] =	sst s2  }
0x8f: {  	_ = 	snop  }
0x90: {  	s2 =	sld [smem:$0x3FC7];
	(tm) =	ssettm $0x1  }
0x91: {  	s18 =	sld [smem:$0x3FFB];
	_ =	sdelay $0x3  }
0x92: {  	_ =	strace s18  }
0x93: {  	s3 =	sld [smem:$0x3FFC];
	_ =	sdelay $0x3  }
0x94: {  	_ =	strace s3  }
0x95: {  	s3 =	sld [smem:$0x3FFD];
	_ =	sdelay $0x3  }
0x96: {  	_ =	strace s3  }
0x97: {  	_ =	strace $0x8FFFFFFF  }
0x98: {  	s19 =	sld [smem:$0x3FDB];
	_ =	sdelay $0x1  }
0x99: {  	s4 =	simm.s32 $_scs_section_size  }
0x9a: {  	s5 =	simm.s32 $_size__tile_overlayer_lowered;
	s6 =	simm.s32 $_tile_overlayer_lowered  }
0x9b: {  	s22 =	simm.s32 $0x1BFF;
	s21 =	sshll.u32 s6, $0x1;
	s3 =	sadd.s32 s4, s19  }
0x9c: {  	s7 =	simm.s32 $0x0;
	s20 =	sshll.u32 s5, $0x1;
	s5 =	sadd.s32 s21, s3  }
0x9d: {  	[timem:s7], [sflag:s22] =	dma.local [hbm:s5], s20  }
0x9e: {  	_ =	swait.ge [sflag:s22], s20  }
0x9f: {  	s4 =	ssub.s32 $0x0, s20;
	[sflag:s22] =	ssyncset.done $0x0  }
0xa0: {  	[sflag:s22] =	ssyncadd.s32 s4;
	_ =	sdelay $0x1  }
0xa1: {  	s23 =	simm.s32 $0x1B8B  }
0xa2: {  	_ =	swait.ge [sflag:s23], $0x1  }
0xa3: {  	[sflag:s23] =	ssyncset.done $0x0  }
0xa4: {  	s25 =	simm.s32 $0x1B8E;
	s24 =	sld [smem:$0x3FFE];
	[sflag:s23] =	ssyncadd.s32 $0xFFFFFFFF  }
0xa5: {  	s26 =	simm.s32 $execute0_lowered;
	[smem:$0x3FD2] =	sst s25  }
0xa6: {  	s5 =	sshll.u32 s26, $0x1;
	_ =	strace $0x80000046;
	[dreg:$0x1] =	wrdreg $0xFFFFFFFF  }
0xa7: {  	s28 =	simm.s32 $_size_execute0_lowered;
	s3 =	sadd.s32 s3, s5;
	[dreg:$0x0] =	wrdreg $0x0  }
0xa8: {  	s5 =	sshll.u32 s28, $0x1;
	[dreg:$0x2] =	wrdreg s3  }
0xa9: {  	[dreg:$0x3] =	wrdreg s5  }
0xaa: {  	[dreg:$0x4] =	wrdreg $0xC0  }
0xab: {  	_ =	task [dreg:s7], $0x5FFFF  }
0xac: {  	[dreg:$0x1] =	wrdreg $0xFFFFFFFF  }
0xad: {  	[dreg:$0x0] =	wrdreg $0x60  }
0xae: {  	[dreg:$0x2] =	wrdreg s2  }
0xaf: {  	[dreg:$0x3] =	wrdreg s24  }
0xb0: {  	[dreg:$0x4] =	wrdreg $0x9  }
0xb1: {  	_ =	task.clear_ibuf [dreg:s7], $0x5FFFF;
	_ =	strace $0x90000046  }
0xb2: {  	s29 =	simm.s32 $0x9;
	_ =	strace $0x80000048  }
0xb3: {  	_ =	swait.ge [sflag:s29], $0x1  }
0xb4: {  	[sflag:s29] =	ssyncadd.s32 $0xFFFFFFFF  }
0xb5: {  	_ =	strace $0x90000048  }
0xb6: {  	_ =	sfence  }
0xb7: {  	s30 =	sld [smem:$0x0];
	_ =	sdelay $0x2  }
0xb8: {  	s31 =	sshll.u32 s1, $0xD;
	s1 =	sshrl.u32 s1, $0x2  }
0xb9: {  	s3 =	sand.u32 $0x4000, s31;
	s1 =	sadd.s32 s1, s30  }
0xba: {  	s0 =	sor.u32 s3, s0;
	s1 =	sshll.u32 s1, $0x11  }
0xbb: {  	s0 =	sor.u32 s1, s0  }
0xbc: {  	s0 =	sadd.s32 $0x8F2B, s0  }
0xbd: {  	[sflag:s0] =	ssyncadd.remote.s32 $0x1  }
0xbe: {  	_ =	sfence.sel $0xFFFF  }
0xbf: {  	[dreg:$0x0] =	wrdreg $0xFFFFFFFF;
	(pc) =	sbr.abs _section_cstart, $3  }
0xc0: {  	[dreg:$0x1] =	wrdreg $0xFFFFFFFF  }
0xc1: {  	_ =	task.clear_ibuf [dreg:s7], $0x2FFFF;
	_ =	strace $0x9FFFFFFF  }
0xc2: {  	(tm) =	ssettm $0x7FFFFFFF  }
0xc3: {  	_ =	shalt  }
tec
execute0_lowered:
.L_overlay_start_1:
0x0: {  	(tag) =	ssettag $0x1  }
0x1: {  	s1 =	srdreg.scid;
	s2 =	rddreg [dreg:$0x0]  }
0x2: {  	s0 =	stileid.u32;
	s4 =	rddreg [dreg:$0x1];
	s6 =	sand.u32 $0x1, s1  }
0x3: {  	s3 =	simm.s32 $0x0;
	s5 =	sshll.u32 s0, $0x7;
	s7 =	sshll.u32 s6, $0x6  }
0x4: {  	[smem:$0x7FF] =	sst s3;
	s5 =	sor.u32 s7, s5  }
0x5: {  	s1 =	rddreg [dreg:$0x2];
	_ =	strace $0x80000047;
	s8 =	sadd.s32 s5, s4  }
0x6: {  	s9 =	ssub.s32 $0x2, s6;
	s4 =	simm.s32 $0x2;
	s5 =	sadd.s32 $0x800, s8  }
0x7: {  	[tilespmem:s3], [sflag:$0x2] =	stream.linear.gather [hbm4b:s5+s3], $0x200, $0x38;
	[tilespmem:$0x400] =	vst v63  }
0x8: {  	s10 =	sshrl.u32 s9, $0x1;
	_ =	swait.ge [sflag:s4], $0x200  }
0x9: {  	s6 =	simm.s32 $0x200;
	s9 =	ssub.s32 s9, s10;
	[sflag:s4] =	ssyncset.done $0x0  }
0xa: {  	s7 =	simm.s32 $0x1;
	s9 =	smax.u32 s9, $0x1;
	[sflag:s4] =	ssyncadd.s32 $0xFFFFFE00  }
0xb: {  	[tilespmem:s6], [sflag:$0x1] =	stream.indirect.gather [hbm4b:s2+s6], $0x1, s3, s6, $0xb8;
	[tilespmem:$0x400] =	vst v63  }
0xc: {  	p0 =	sne.s32 s9, $0x1;
	_ =	swait.ge [sflag:s7], $0x200  }
.Ltmp0:
0xd: {  	[sflag:s7] =	ssyncset.done $0x0;
	(pc) =	sbr.rel @!p0 .LBB2_2-.Ltmp0, $4  }
0xe: {  	s8 =	sadd.s32 $0x1000, s8;
	[sflag:s7] =	ssyncadd.s32 $0xFFFFFE00  }
0xf: {  	[hbm4b:s8+s3] =	stream.linear.scatter [tilespmem:s6], [sflag:$0x2], $0x200, $0x38;
	[tilespmem:$0x400] =	vst v63  }
0x10: {  	_ =	swait.ge [sflag:s4], $0x200  }
0x11: {  	s9 =	sadd.s32 $0xFFFFFFFF, s9;
	[sflag:s4] =	ssyncset.done $0x0  }
.LBB2_1:
0x12: {  	p0 =	sne.s32 s9, $0x1;
	s9 =	sadd.s32 $0xFFFFFFFF, s9;
	[sflag:s4] =	ssyncadd.s32 $0xFFFFFE00  }
0x13: {  	[tilespmem:s3], [sflag:$0x2] =	stream.linear.gather [hbm4b:s5+s3], $0x200, $0x38;
	[tilespmem:$0x400] =	vst v63  }
0x14: {  	_ =	swait.ge [sflag:s4], $0x200  }
0x15: {  	[sflag:s4] =	ssyncset.done $0x0  }
0x16: {  	[sflag:s4] =	ssyncadd.s32 $0xFFFFFE00  }
0x17: {  	[tilespmem:s6], [sflag:$0x1] =	stream.indirect.gather [hbm4b:s2+s6], $0x1, s3, s6, $0xb8;
	[tilespmem:$0x400] =	vst v63  }
0x18: {  	_ =	swait.ge [sflag:s7], $0x200  }
.Ltmp1:
0x19: {  	[sflag:s7] =	ssyncset.done $0x0;
	(pc) =	sbr.rel @p0 .LBB2_1-.Ltmp1, $4  }
0x1a: {  	[sflag:s7] =	ssyncadd.s32 $0xFFFFFE00  }
0x1b: {  	[hbm4b:s8+s3] =	stream.linear.scatter [tilespmem:s6], [sflag:$0x2], $0x200, $0x38;
	[tilespmem:$0x400] =	vst v63  }
0x1c: {  	_ =	swait.ge [sflag:s4], $0x200  }
0x1d: {  	[sflag:s4] =	ssyncset.done $0x0  }
.LBB2_2:
0x1e: {  	[sflag:s4] =	ssyncadd.s32 $0xFFFFFE00  }
0x1f: {  	_ =	sfence.sel $0x180000  }
0x20: {  	[bflag:$0x0] =	sbarrier.arrive $0xFFFF  }
0x21: {  	p0 =	sne.s32 s0, $0x0;
	_ =	strace $0x90000047  }
0x22: {  	s0 =	sadd.s32 @!p0 $0x100000, s1;
	[bflag:$0x2] =	sbarrier.arrive $0xFFFF  }
0x23: {  	[sflag:s0] =	ssyncadd.tile.s32 @!p0 $0x1;
	_ =	shalt  }
.Lfunc_end2:
_tile_overlayer_lowered:
.L_overlay_start_2:
0x24: {  	(tag) =	ssettag $0x2  }
0x25: {  	s0 =	rddreg [dreg:$0x0];
	s2 =	stileid.u32  }
0x26: {  	s1 =	rddreg [dreg:$0x1];
	p0 =	sne.s32 s2, $0x0  }
0x27: {  	s3 =	rddreg [dreg:$0x2];
	[bflag:$0x3] =	sbarrier.arrive $0xFFFF;
	s2 =	simm.s32 @!p0 $0x1C02  }
0x28: {  	[timem:s3], [sflag:s2] =	dma.local @!p0 [hbm:s0], s1  }
0x29: {  	s0 =	simm.s32 @!p0 $0x2  }
0x2a: {  	_ =	swait.ge @!p0 [sflag:s0], s1  }
0x2b: {  	s1 =	ssub.s32 @!p0 $0x0, s1;
	[sflag:s0] =	ssyncset.done @!p0 $0x0  }
0x2c: {  	[sflag:s0] =	ssyncadd.s32 @!p0 s1  }
0x2d: {  	[bflag:$0x3] =	sbarrier.arrive $0xFFFF  }
0x2e: {  	_ =	shalt  }

</sc_bundles>
